<compile_context>
chip_gen: v7x
topology: tpu7x:2x2x1
jax: 0.10.2.dev20260603
libtpu: 0.0.44.dev20260713+nightly
codegen_flags: <defaults>
</compile_context>

<pallas_src>
import jax
import jax.numpy as jnp
from jax import lax
from jax.experimental import pallas as pl
from jax.experimental.pallas import tpu as pltpu
from jax.experimental.pallas import tpu_sc as plsc

N_NODES = 10000
N_EDGES = 320000
D_FEAT = 128
LANES = 16

NC = 2
NS = 16
NW = NC * NS

NPAD = 10240
EDGES_PER_TILE = N_EDGES // NW



BC = 128
NJ = NPAD // BC
BLK = NPAD * BC


def _mm_body(m_ref, mt_ref, g_ref):
    res = lax.dot_general(
        m_ref[...], mt_ref[...], (((1,), (1,)), ((), ())),
        preferred_element_type=jnp.float32)
    bf = res.astype(jnp.bfloat16)
    lo = lax.bitcast_convert_type(bf[:NPAD // 2], jnp.uint16).astype(jnp.uint32)
    hi = lax.bitcast_convert_type(bf[NPAD // 2:], jnp.uint16).astype(jnp.uint32)
    w = lax.bitcast_convert_type(lo | (hi << 16), jnp.int32)
    g_ref[...] = w.reshape(BLK // 2)


def _gram(mp):
    return pl.pallas_call(
        _mm_body,
        grid=(NJ,),
        in_specs=[pl.BlockSpec((NPAD, D_FEAT), lambda j: (0, 0)),
                  pl.BlockSpec((BC, D_FEAT), lambda j: (j, 0))],
        out_specs=pl.BlockSpec((BLK // 2,), lambda j: (j,)),
        out_shape=jax.ShapeDtypeStruct((NPAD * NPAD // 2,), jnp.int32),
    )(mp, mp)



def _sc_body(src_hbm, dst_hbm, g_hbm, out_hbm, sidx, didx, widx, vals, outv,
             sem):
    cid = lax.axis_index("c")
    sid = lax.axis_index("s")
    wid = sid * NC + cid
    base = wid * EDGES_PER_TILE

    pltpu.sync_copy(src_hbm.at[pl.ds(base, EDGES_PER_TILE)], sidx)
    pltpu.sync_copy(dst_hbm.at[pl.ds(base, EDGES_PER_TILE)], didx)

    def flat_step(i, _):
        s = pl.ds(i * LANES, LANES)
        sv = sidx[s]
        dv = didx[s]
        sm = jnp.where(sv >= NPAD // 2, sv - NPAD // 2, sv)
        widx[s] = (dv >> 7) * (BLK // 2) + (sm << 7) + (dv & (BC - 1))
        return 0

    lax.fori_loop(0, EDGES_PER_TILE // LANES, flat_step, 0)

    pltpu.async_copy(g_hbm.at[widx], vals, sem).wait()

    def unpack_step(i, _):
        s = pl.ds(i * LANES, LANES)
        w = plsc.bitcast(vals[s], jnp.bfloat16)
        lo, hi = plsc.unpack(w, format=plsc.PackFormat.INTERLEAVED)
        outv[s] = jnp.where(sidx[s] < NPAD // 2, lo, hi)
        return 0

    lax.fori_loop(0, EDGES_PER_TILE // LANES, unpack_step, 0)
    pltpu.sync_copy(outv, out_hbm.at[pl.ds(base, EDGES_PER_TILE)])


def _sc_gather(src, dst, g):
    mesh = plsc.VectorSubcoreMesh(core_axis_name="c", subcore_axis_name="s")
    return pl.kernel(
        _sc_body,
        out_type=jax.ShapeDtypeStruct((N_EDGES,), jnp.float32),
        mesh=mesh,
        compiler_params=pltpu.CompilerParams(needs_layout_passes=False,
                                             use_tc_tiling_on_sc=False),
        scratch_types=[
            pltpu.VMEM((EDGES_PER_TILE,), jnp.int32),
            pltpu.VMEM((EDGES_PER_TILE,), jnp.int32),
            pltpu.VMEM((EDGES_PER_TILE,), jnp.int32),
            pltpu.VMEM((EDGES_PER_TILE,), jnp.int32),
            pltpu.VMEM((EDGES_PER_TILE,), jnp.float32),
            pltpu.SemaphoreType.DMA,
        ],
    )(src, dst, g)


@jax.jit
def _run(src, dst, model):
    mp = jnp.zeros((NPAD, D_FEAT), jnp.bfloat16)
    mp = lax.dynamic_update_slice(mp, model.astype(jnp.bfloat16), (0, 0))
    g = _gram(mp)
    return _sc_gather(src, dst, g)


def kernel(model, edge_index):
    ei = edge_index.astype(jnp.int32)
    return _run(ei[0], ei[1], model)

# --- scband reference (transcript-rebuilt; emitter-appended) ---
"""Pipeline reference for scband-classifier-16338055594461 (READ-ONLY COPY).

The authoritative reference and input builder live on the scoring server;
editing this copy changes nothing except your own understanding.
"""

import jax, jax.numpy as jnp
import numpy as np

N_NODES = 10000
N_EDGES = 320000
D_FEAT = 128

def setup_inputs(seed: int = 0) -> dict:
    key = jax.random.key(seed)
    k1, k2 = jax.random.split(key)
    model = jax.random.normal(k1, (N_NODES, D_FEAT), dtype=jnp.float32)
    edge_index = jax.random.randint(k2, (2, N_EDGES), 0, N_NODES, dtype=jnp.int64)
    return {"model": model, "edge_index": edge_index}

def reference(model, edge_index):
    # gather node features for source and destination of each edge
    edge_feat_0 = jnp.take(model, edge_index[0], axis=0)
    edge_feat_1 = jnp.take(model, edge_index[1], axis=0)
    # dot-product link score per edge
    return (edge_feat_0 * edge_feat_1).sum(axis=-1)

if __name__ == "__main__":
    import jax
    _d = setup_inputs()
    print(jax.jit(kernel)(*tuple(_d.values())))

</pallas_src>

<mosaic_0001>
#map = affine_map<(d0, d1) -> (0)>
module attributes {stable_mosaic.version = 14 : i64} {
  func.func @_sc_body(%arg0: i32, %arg1: i32, %arg2: memref<320000xi32, #tpu.memory_space<hbm>>, %arg3: memref<320000xi32, #tpu.memory_space<hbm>>, %arg4: memref<52428800xi32, #tpu.memory_space<hbm>>, %arg5: memref<320000xf32, #tpu.memory_space<hbm>>, %arg6: memref<10000xi32, #tpu.memory_space<vmem>>, %arg7: memref<10000xi32, #tpu.memory_space<vmem>>, %arg8: memref<10000xi32, #tpu.memory_space<vmem>>, %arg9: memref<10000xi32, #tpu.memory_space<vmem>>, %arg10: memref<10000xf32, #tpu.memory_space<vmem>>, %arg11: memref<!tpu.dma_semaphore, #tpu.memory_space<semaphore_mem>>) attributes {dimension_semantics = [#tpu.dimension_semantics<core_parallel>, #tpu.dimension_semantics<subcore_parallel>], iteration_bounds = array<i64: 2, 16>, scalar_prefetch = 0 : i64, scratch_operands = 6 : i64, tpu.core_type = #tpu.core_type<sc_vector_subcore>, window_params = [{transform_indices = #map}, {transform_indices = #map}, {transform_indices = #map}, {transform_indices = #map}]} {
    %mul3A = arith.constant 2 : i32
    %mul3A_0 = arith.muli %arg1, %mul3A : i32
    %add3A = arith.addi %mul3A_0, %arg0 : i32
    %mul3A_1 = arith.constant 10000 : i32
    %mul3A_2 = arith.muli %add3A, %mul3A_1 : i32
    "tpu.region"() ({
      %run_scoped3A = tpu.sem_alloc : memref<!tpu.dma_semaphore, #tpu.memory_space<semaphore_mem>>
      %dma_start3A_18 = tpu.memref_slice %arg2[%mul3A_2] : memref<320000xi32, #tpu.memory_space<hbm>> -> memref<10000xi32, #tpu.memory_space<hbm>>
      %dma_start3A_19 = tpu.memref_slice %arg2[%mul3A_2] : memref<320000xi32, #tpu.memory_space<hbm>> -> memref<10000xi32, #tpu.memory_space<hbm>>
      tpu.enqueue_dma source(%dma_start3A_19 : memref<10000xi32, #tpu.memory_space<hbm>>) target(%arg6 : memref<10000xi32, #tpu.memory_space<vmem>>) target_semaphore(%run_scoped3A : memref<!tpu.dma_semaphore, #tpu.memory_space<semaphore_mem>>)
      %dma_wait3A_20 = tpu.memref_slice %arg2[%mul3A_2] : memref<320000xi32, #tpu.memory_space<hbm>> -> memref<10000xi32, #tpu.memory_space<hbm>>
      %dma_wait3A_21 = tpu.memref_slice %arg2[%mul3A_2] : memref<320000xi32, #tpu.memory_space<hbm>> -> memref<10000xi32, #tpu.memory_space<hbm>>
      tpu.wait_dma2 semaphore(%run_scoped3A : memref<!tpu.dma_semaphore, #tpu.memory_space<semaphore_mem>>) src(%dma_wait3A_21 : memref<10000xi32, #tpu.memory_space<hbm>>) dst(%arg6 : memref<10000xi32, #tpu.memory_space<vmem>>)
      tpu.yield
    }) : () -> ()
    "tpu.region"() ({
      %run_scoped3A = tpu.sem_alloc : memref<!tpu.dma_semaphore, #tpu.memory_space<semaphore_mem>>
      %dma_start3A_18 = tpu.memref_slice %arg3[%mul3A_2] : memref<320000xi32, #tpu.memory_space<hbm>> -> memref<10000xi32, #tpu.memory_space<hbm>>
      %dma_start3A_19 = tpu.memref_slice %arg3[%mul3A_2] : memref<320000xi32, #tpu.memory_space<hbm>> -> memref<10000xi32, #tpu.memory_space<hbm>>
      tpu.enqueue_dma source(%dma_start3A_19 : memref<10000xi32, #tpu.memory_space<hbm>>) target(%arg7 : memref<10000xi32, #tpu.memory_space<vmem>>) target_semaphore(%run_scoped3A : memref<!tpu.dma_semaphore, #tpu.memory_space<semaphore_mem>>)
      %dma_wait3A_20 = tpu.memref_slice %arg3[%mul3A_2] : memref<320000xi32, #tpu.memory_space<hbm>> -> memref<10000xi32, #tpu.memory_space<hbm>>
      %dma_wait3A_21 = tpu.memref_slice %arg3[%mul3A_2] : memref<320000xi32, #tpu.memory_space<hbm>> -> memref<10000xi32, #tpu.memory_space<hbm>>
      tpu.wait_dma2 semaphore(%run_scoped3A : memref<!tpu.dma_semaphore, #tpu.memory_space<semaphore_mem>>) src(%dma_wait3A_21 : memref<10000xi32, #tpu.memory_space<hbm>>) dst(%arg7 : memref<10000xi32, #tpu.memory_space<vmem>>)
      tpu.yield
    }) : () -> ()
    %scan3A = arith.constant 0 : i32
    %scan3A_3 = arith.constant 0 : i32
    %scan3A_4 = arith.constant 625 : i32
    %scan3A_5 = arith.addi %scan3A_3, %scan3A_4 : i32
    %scan3A_6 = arith.constant 1 : i32
    %scan3A_7 = scf.for %scan3A_18 = %scan3A_3 to %scan3A_5 step %scan3A_6 iter_args(%scan3A_19 = %scan3A) -> (i32)  : i32 {
      %mul3A_20 = arith.constant 16 : i32
      %mul3A_21 = arith.muli %scan3A_18, %mul3A_20 : i32
      %get3A = arith.index_cast %mul3A_21 : i32 to index
      %get3A_22 = tpu.vector_load %arg6[%get3A] {strides = array<i32>} : memref<10000xi32, #tpu.memory_space<vmem>>, vector<16xi32>,
      %get3A_23 = arith.index_cast %mul3A_21 : i32 to index
      %get3A_24 = tpu.vector_load %arg7[%get3A_23] {strides = array<i32>} : memref<10000xi32, #tpu.memory_space<vmem>>, vector<16xi32>,
      %ge3A = arith.constant 5120 : i32
      %ge3A_25 = vector.broadcast %ge3A : i32 to vector<16xi32>
      %ge3A_26 = arith.cmpi sge, %get3A_22, %ge3A_25 : vector<16xi32>
      %sub3A = arith.constant 5120 : i32
      %sub3A_27 = vector.broadcast %sub3A : i32 to vector<16xi32>
      %sub3A_28 = arith.subi %get3A_22, %sub3A_27 : vector<16xi32>
      %select_n3A = arith.select %ge3A_26, %sub3A_28, %get3A_22 : vector<16xi1>, vector<16xi32>
      %shift_right_arithmetic3A = arith.constant 7 : i32
      %shift_right_arithmetic3A_29 = vector.broadcast %shift_right_arithmetic3A : i32 to vector<16xi32>
      %shift_right_arithmetic3A_30 = arith.shrsi %get3A_24, %shift_right_arithmetic3A_29 : vector<16xi32>
      %mul3A_31 = arith.constant 655360 : i32
      %mul3A_32 = vector.broadcast %mul3A_31 : i32 to vector<16xi32>
      %mul3A_33 = arith.muli %shift_right_arithmetic3A_30, %mul3A_32 : vector<16xi32>
      %shift_left3A = arith.constant 7 : i32
      %shift_left3A_34 = vector.broadcast %shift_left3A : i32 to vector<16xi32>
      %shift_left3A_35 = arith.shli %select_n3A, %shift_left3A_34 : vector<16xi32>
      %add3A_36 = arith.addi %mul3A_33, %shift_left3A_35 : vector<16xi32>
      %and3A = arith.constant 127 : i32
      %and3A_37 = vector.broadcast %and3A : i32 to vector<16xi32>
      %and3A_38 = arith.andi %get3A_24, %and3A_37 : vector<16xi32>
      %add3A_39 = arith.addi %add3A_36, %and3A_38 : vector<16xi32>
      %swap3A = arith.index_cast %mul3A_21 : i32 to index
      %swap3A_40 = tpu.vector_load %arg8[%swap3A] {strides = array<i32>} : memref<10000xi32, #tpu.memory_space<vmem>>, vector<16xi32>,
      tpu.vector_store %arg8[%swap3A], %add3A_39 {strides = array<i32>} : memref<10000xi32, #tpu.memory_space<vmem>>, vector<16xi32>,
      %scan3A_41 = arith.constant 0 : i32
      scf.yield %scan3A_41 : i32
    }
    %scan3A_8 = arith.constant 625 : i32
    %dma_start3A = arith.constant 0 : i32
    %dma_start3A_9 = tpu.memref_slice %arg4[%dma_start3A] : memref<52428800xi32, #tpu.memory_space<hbm>> -> memref<52428800xi32, #tpu.memory_space<hbm>>
    tpu.enqueue_indirect_dma source(%dma_start3A_9 : memref<52428800xi32, #tpu.memory_space<hbm>>) target(%arg9 : memref<10000xi32, #tpu.memory_space<vmem>>) offsets(%arg8 : memref<10000xi32, #tpu.memory_space<vmem>>) semaphore(%arg11 : memref<!tpu.dma_semaphore, #tpu.memory_space<semaphore_mem>>)
    %dma_wait3A = arith.constant 0 : i32
    %dma_wait3A_10 = tpu.memref_slice %arg4[%dma_wait3A] : memref<52428800xi32, #tpu.memory_space<hbm>> -> memref<52428800xi32, #tpu.memory_space<hbm>>
    tpu.wait_indirect_dma semaphore(%arg11 : memref<!tpu.dma_semaphore, #tpu.memory_space<semaphore_mem>>) src(%dma_wait3A_10 : memref<52428800xi32, #tpu.memory_space<hbm>>) dst(%arg9 : memref<10000xi32, #tpu.memory_space<vmem>>)
    %scan3A_11 = arith.constant 0 : i32
    %scan3A_12 = arith.constant 0 : i32
    %scan3A_13 = arith.constant 625 : i32
    %scan3A_14 = arith.addi %scan3A_12, %scan3A_13 : i32
    %scan3A_15 = arith.constant 1 : i32
    %scan3A_16 = scf.for %scan3A_18 = %scan3A_12 to %scan3A_14 step %scan3A_15 iter_args(%scan3A_19 = %scan3A_11) -> (i32)  : i32 {
      %mul3A_20 = arith.constant 16 : i32
      %mul3A_21 = arith.muli %scan3A_18, %mul3A_20 : i32
      %get3A = arith.index_cast %mul3A_21 : i32 to index
      %get3A_22 = tpu.vector_load %arg9[%get3A] {strides = array<i32>} : memref<10000xi32, #tpu.memory_space<vmem>>, vector<16xi32>,
      %bitcast3A = vector.bitcast %get3A_22 : vector<16xi32> to vector<32xbf16>
      %unpack3A = tpu.unpack_subelements %bitcast3A, 0 {pack_format = #tpu.pack_format<interleaved>} : vector<32xbf16> -> vector<16xf32>
      %unpack3A_23 = tpu.unpack_subelements %bitcast3A, 1 {pack_format = #tpu.pack_format<interleaved>} : vector<32xbf16> -> vector<16xf32>
      %get3A_24 = arith.index_cast %mul3A_21 : i32 to index
      %get3A_25 = tpu.vector_load %arg6[%get3A_24] {strides = array<i32>} : memref<10000xi32, #tpu.memory_space<vmem>>, vector<16xi32>,
      %lt3A = arith.constant 5120 : i32
      %lt3A_26 = vector.broadcast %lt3A : i32 to vector<16xi32>
      %lt3A_27 = arith.cmpi slt, %get3A_25, %lt3A_26 : vector<16xi32>
      %select_n3A = arith.select %lt3A_27, %unpack3A, %unpack3A_23 : vector<16xi1>, vector<16xf32>
      %swap3A = arith.index_cast %mul3A_21 : i32 to index
      %swap3A_28 = tpu.vector_load %arg10[%swap3A] {strides = array<i32>} : memref<10000xf32, #tpu.memory_space<vmem>>, vector<16xf32>,
      tpu.vector_store %arg10[%swap3A], %select_n3A {strides = array<i32>} : memref<10000xf32, #tpu.memory_space<vmem>>, vector<16xf32>,
      %scan3A_29 = arith.constant 0 : i32
      scf.yield %scan3A_29 : i32
    }
    %scan3A_17 = arith.constant 625 : i32
    "tpu.region"() ({
      %run_scoped3A = tpu.sem_alloc : memref<!tpu.dma_semaphore, #tpu.memory_space<semaphore_mem>>
      %dma_start3A_18 = tpu.memref_slice %arg5[%mul3A_2] : memref<320000xf32, #tpu.memory_space<hbm>> -> memref<10000xf32, #tpu.memory_space<hbm>>
      %dma_start3A_19 = tpu.memref_slice %arg5[%mul3A_2] : memref<320000xf32, #tpu.memory_space<hbm>> -> memref<10000xf32, #tpu.memory_space<hbm>>
      tpu.enqueue_dma source(%arg10 : memref<10000xf32, #tpu.memory_space<vmem>>) target(%dma_start3A_19 : memref<10000xf32, #tpu.memory_space<hbm>>) target_semaphore(%run_scoped3A : memref<!tpu.dma_semaphore, #tpu.memory_space<semaphore_mem>>)
      %dma_wait3A_20 = tpu.memref_slice %arg5[%mul3A_2] : memref<320000xf32, #tpu.memory_space<hbm>> -> memref<10000xf32, #tpu.memory_space<hbm>>
      %dma_wait3A_21 = tpu.memref_slice %arg5[%mul3A_2] : memref<320000xf32, #tpu.memory_space<hbm>> -> memref<10000xf32, #tpu.memory_space<hbm>>
      tpu.wait_dma2 semaphore(%run_scoped3A : memref<!tpu.dma_semaphore, #tpu.memory_space<semaphore_mem>>) src(%arg10 : memref<10000xf32, #tpu.memory_space<vmem>>) dst(%dma_wait3A_21 : memref<10000xf32, #tpu.memory_space<hbm>>)
      tpu.yield
    }) : () -> ()
    return
  }
}

module attributes {stable_mosaic.version = 14 : i64} {
  func.func @_mm_body(%arg0: i32, %arg1: memref<10240x128xbf16, #tpu.memory_space<vmem>>, %arg2: memref<128x128xbf16, #tpu.memory_space<vmem>>, %arg3: memref<655360xi32, #tpu.memory_space<vmem>>) attributes {dimension_semantics = [#tpu.dimension_semantics<arbitrary>], iteration_bounds = array<i64: 80>, scalar_prefetch = 0 : i64, scratch_operands = 0 : i64, tpu.core_type = #tpu.core_type<tc>, window_params = [{pipeline_mode = #tpu.pipeline_mode<synchronous>, transform_indices = @transform_0, window_bounds = array<i64: 10240, 128>}, {transform_indices = @transform_1, window_bounds = array<i64: 128, 128>}, {transform_indices = @transform_2, window_bounds = array<i64: 655360>}]} {
    %get3A = arith.constant 0 : index
    %get3A_0 = arith.constant 0 : index
    %get3A_1 = vector.load %arg1[%get3A, %get3A_0] : memref<10240x128xbf16, #tpu.memory_space<vmem>>, vector<10240x128xbf16>
    %get3A_2 = arith.constant 0 : index
    %get3A_3 = arith.constant 0 : index
    %get3A_4 = vector.load %arg2[%get3A_2, %get3A_3] : memref<128x128xbf16, #tpu.memory_space<vmem>>, vector<128x128xbf16>
    %dot_general3A = arith.constant dense<0.000000e+00> : vector<10240x128xf32>
    %dot_general3A_5 = tpu.matmul %get3A_1, %get3A_4, %dot_general3A {dimension_numbers = #tpu.dot_dimension_numbers<[1], [1], [0], [0], [0, 0, 1, 0], [], []>, transpose_lhs_hint = false} : vector<10240x128xbf16>, vector<128x128xbf16>, vector<10240x128xf32> -> vector<10240x128xf32>
    %convert_element_type3A = arith.truncf %dot_general3A_5 : vector<10240x128xf32> to vector<10240x128xbf16>
    %slice3A = vector.extract_strided_slice %convert_element_type3A {offsets = [0, 0], sizes = [5120, 128], strides = [1, 1]} : vector<10240x128xbf16> to vector<5120x128xbf16>
    %bitcast_convert_type3A = tpu.bitcast %slice3A : vector<5120x128xbf16> -> vector<5120x128xi16>
    %convert_element_type3A_6 = arith.extui %bitcast_convert_type3A : vector<5120x128xi16> to vector<5120x128xi32>
    %slice3A_7 = vector.extract_strided_slice %convert_element_type3A {offsets = [5120, 0], sizes = [5120, 128], strides = [1, 1]} : vector<10240x128xbf16> to vector<5120x128xbf16>
    %bitcast_convert_type3A_8 = tpu.bitcast %slice3A_7 : vector<5120x128xbf16> -> vector<5120x128xi16>
    %convert_element_type3A_9 = arith.extui %bitcast_convert_type3A_8 : vector<5120x128xi16> to vector<5120x128xi32>
    %shift_left3A = arith.constant 16 : i32
    %shift_left3A_10 = vector.broadcast %shift_left3A : i32 to vector<5120x128xi32>
    %shift_left3A_11 = arith.shli %convert_element_type3A_9, %shift_left3A_10 : vector<5120x128xi32>
    %or3A = arith.ori %convert_element_type3A_6, %shift_left3A_11 : vector<5120x128xi32>
    %bitcast_convert_type3A_12 = tpu.bitcast %or3A : vector<5120x128xi32> -> vector<5120x128xi32>
    %reshape3A = vector.shape_cast %bitcast_convert_type3A_12 : vector<5120x128xi32> to vector<655360xi32>
    %swap3A = arith.constant 0 : index
    %swap3A_13 = vector.load %arg3[%swap3A] : memref<655360xi32, #tpu.memory_space<vmem>>, vector<655360xi32>
    tpu.vector_store %arg3[%swap3A], %reshape3A {strides = array<i32>} : memref<655360xi32, #tpu.memory_space<vmem>>, vector<655360xi32>,
    return
  }
  func.func @transform_0(%arg0: i32) -> (i32, i32) {
    %c0_i32 = arith.constant 0 : i32
    %c0_i32_0 = arith.constant 0 : i32
    %c0_i32_1 = arith.constant 0 : i32
    return %c0_i32, %c0_i32_0 : i32, i32
  }
  func.func @transform_1(%arg0: i32) -> (i32, i32) {
    %c0_i32 = arith.constant 0 : i32
    %c0_i32_0 = arith.constant 0 : i32
    return %arg0, %c0_i32 : i32, i32
  }
  func.func @transform_2(%arg0: i32) -> i32 {
    %c0_i32 = arith.constant 0 : i32
    return %arg0 : i32
  }
}

</mosaic_0001>

<sc_bundles>
// kernel: _run.4.cloned.1.call-start
scs
__scs_entry_jumppad:
0x0: {  	(pc) =	sbr.rel $0x88, $3  }
0x1: {  	(tag) =	ssettag $0x0;
	lr =	simm.s32 $0x1  }
0x2: {  	[smem:$0x3F9E] =	sst lr;
	_ =	strace $0xD0000000  }
0x3: {  	_ = 	snop  }
0x4: {  	_ = 	snop  }
0x5: {  	_ = 	snop  }
0x6: {  	_ = 	snop  }
0x7: {  	_ = 	snop  }
__scs_overlays_trampoline_lowered:
0x8: {  	[smem:$0x3FAD] =	sst s0  }
0x9: {  	[smem:$0x3FAE] =	sst s1  }
0xa: {  	[smem:$0x3FAF] =	sst s2  }
0xb: {  	[smem:$0x3FB0] =	sst s3  }
0xc: {  	[smem:$0x3FB1] =	sst s4  }
0xd: {  	[smem:$0x3FB2] =	sst s5  }
0xe: {  	[smem:$0x3FB3] =	sst s6  }
0xf: {  	[smem:$0x3FB4] =	sst s7  }
0x10: {  	[smem:$0x3FB5] =	sst s8  }
0x11: {  	[smem:$0x3FB6] =	sst s9;
	s0 =	simm.s32 @!p0 $0x0  }
0x12: {  	s1 =	sld [smem:$0x3F9C];
	s0 =	simm.s32 @p0 $0x1  }
0x13: {  	[smem:$0x3FB7] =	sst s0;
	s0 =	simm.s32 @!p1 $0x0  }
0x14: {  	s2 =	sld [smem:$0x3F9B];
	s0 =	simm.s32 @p1 $0x1  }
0x15: {  	[smem:$0x3FB8] =	sst s0;
	s0 =	simm.s32 @!p2 $0x0  }
0x16: {  	s3 =	sld [smem:$0x3FDB];
	s0 =	simm.s32 @p2 $0x1  }
0x17: {  	s4 =	simm.s32 $0x1BF5;
	[smem:$0x3FBA] =	sst s0  }
0x18: {  	s0 =	sld [smem:$0x3F9D];
	_ =	swait.ge [sflag:s4], $0x0  }
0x19: {  	s7 =	sld [smem:$0x3F9E]  }
0x1a: {  	s8 =	sadd.s32 $0xFFFFE003, lr  }
0x1b: {  	s9 =	sadd.s32 $0xFFFFFEF7, lr;
	s5 =	simm.s32 $0xFFFFFFFF;
	p2 =	slt.u32 s8, $0xFFFFF086  }
0x1c: {  	p1 =	slt.u32 s9, $0xF7A;
	s5 =	simm.s32 @!p2 $0x0  }
0x1d: {  	s5 =	simm.s32 @p1 $0x1;
	p0 =	seq.s32 s7, s2  }
0x1e: {  	s7 =	smul.u32 @!p0 $0xF7A, s2;
	p2 =	seq.s32 @!p0 s5, $0x0  }
0x1f: {  	s9 =	smul.u32 $0xF7A, s1;
	s8 =	simm.s32 @!p0 $0x1BF5;
	p2 =	por !p2, p0  }
0x20: {  	[sflag:s8] =	ssyncset.s32 @!p0 $0xFFFFF086;
	s6 =	sadd.s32 @!p0 s3, s7;
	s7 =	simm.s32 @!p0 $0x108  }
0x21: {  	s3 =	sadd.s32 s3, s9;
	s6 =	sadd.s32 @!p0 $0x88, s6;
	s7 =	simm.s32 @p2 $0x1082  }
0x22: {  	[simem:s7], [sflag:s8] =	dma.local @!p0 [hbm:s6], $0xF7A  }
0x23: {  	s9 =	sor.u32 $0xD0000000, s2;
	s6 =	simm.s32 $0x108;
	_ =	swait.ge @!p0 [sflag:s8], $0x0  }
0x24: {  	s3 =	sadd.s32 $0x88, s3;
	s6 =	simm.s32 @!p1 $0x1082;
	[sflag:s4] =	ssyncset.s32 $0xFFFFF086  }
0x25: {  	[simem:s6], [sflag:s4] =	dma.local [hbm:s3], $0xF7A  }
0x26: {  	[smem:$0x3F9E] =	sst s1;
	(tag) =	ssettag s2;
	_ =	strace s9  }
0x27: {  	s1 =	sld [smem:$0x3FAE]  }
0x28: {  	s2 =	sld [smem:$0x3FAF]  }
0x29: {  	s4 =	sld [smem:$0x3FB1]  }
0x2a: {  	p0 =	seq.s32 s5, $0x0;
	s5 =	sld [smem:$0x3FB2]  }
0x2b: {  	s6 =	sld [smem:$0x3FB3]  }
0x2c: {  	s7 =	sld [smem:$0x3FB4]  }
0x2d: {  	s3 =	simm.s32 $0x108;
	s8 =	sld [smem:$0x3FB5]  }
0x2e: {  	s3 =	simm.s32 @!p0 $0x1082;
	s9 =	sld [smem:$0x3FB6]  }
0x2f: {  	lr =	sadd.s32 s0, s3;
	s0 =	sld [smem:$0x3FAD]  }
0x30: {  	s3 =	sld [smem:$0x3FB0]  }
0x31: {  	[smem:$0x3FB9] =	sst s10  }
0x32: {  	s10 =	sld [smem:$0x3FB7];
	_ =	sdelay $0x3  }
0x33: {  	p0 =	seq.s32 s10, $0x1;
	s10 =	sld [smem:$0x3FB9];
	_ =	sdelay $0x3  }
0x34: {  	[smem:$0x3FB9] =	sst s10  }
0x35: {  	s10 =	sld [smem:$0x3FB8];
	_ =	sdelay $0x3  }
0x36: {  	p1 =	seq.s32 s10, $0x1;
	s10 =	sld [smem:$0x3FB9];
	_ =	sdelay $0x3  }
0x37: {  	[smem:$0x3FB9] =	sst s10  }
0x38: {  	s10 =	sld [smem:$0x3FBA]  }
0x39: {  	_ = 	snop;
	(pc) =	sbr.ind lr, $3  }
0x3a: {  	_ = 	snop  }
0x3b: {  	_ = 	snop  }
0x3c: {  	p2 =	seq.s32 s10, $0x1;
	s10 =	sld [smem:$0x3FB9]  }
0x3d: {  	_ =	shalt  }
0x3e: {  	_ =	shalt  }
0x3f: {  	_ =	shalt  }
0x40: {  	_ =	shalt  }
0x41: {  	_ =	shalt  }
0x42: {  	_ =	shalt  }
0x43: {  	_ =	shalt  }
0x44: {  	_ =	shalt  }
0x45: {  	_ =	shalt  }
0x46: {  	_ =	shalt  }
0x47: {  	_ =	shalt  }
0x48: {  	_ =	shalt  }
0x49: {  	_ =	shalt  }
0x4a: {  	_ =	shalt  }
0x4b: {  	_ =	shalt  }
0x4c: {  	_ =	shalt  }
0x4d: {  	_ =	shalt  }
0x4e: {  	_ =	shalt  }
0x4f: {  	_ =	shalt  }
0x50: {  	_ =	shalt  }
0x51: {  	_ =	shalt  }
0x52: {  	_ =	shalt  }
0x53: {  	_ =	shalt  }
0x54: {  	_ =	shalt  }
0x55: {  	_ =	shalt  }
0x56: {  	_ =	shalt  }
0x57: {  	_ =	shalt  }
0x58: {  	_ =	shalt  }
0x59: {  	_ =	shalt  }
0x5a: {  	_ =	shalt  }
0x5b: {  	_ =	shalt  }
0x5c: {  	_ =	shalt  }
0x5d: {  	_ =	shalt  }
0x5e: {  	_ =	shalt  }
0x5f: {  	_ =	shalt  }
0x60: {  	_ =	shalt  }
0x61: {  	_ =	shalt  }
0x62: {  	_ =	shalt  }
0x63: {  	_ =	shalt  }
0x64: {  	_ =	shalt  }
0x65: {  	_ =	shalt  }
0x66: {  	_ =	shalt  }
0x67: {  	_ =	shalt  }
0x68: {  	_ =	shalt  }
0x69: {  	_ =	shalt  }
0x6a: {  	_ =	shalt  }
0x6b: {  	_ =	shalt  }
0x6c: {  	_ =	shalt  }
0x6d: {  	_ =	shalt  }
0x6e: {  	_ =	shalt  }
0x6f: {  	_ =	shalt  }
0x70: {  	_ =	shalt  }
0x71: {  	_ =	shalt  }
0x72: {  	_ =	shalt  }
0x73: {  	_ =	shalt  }
0x74: {  	_ =	shalt  }
0x75: {  	_ =	shalt  }
0x76: {  	_ =	shalt  }
0x77: {  	_ =	shalt  }
0x78: {  	_ =	shalt  }
0x79: {  	_ =	shalt  }
0x7a: {  	_ =	shalt  }
0x7b: {  	_ =	shalt  }
0x7c: {  	_ =	shalt  }
0x7d: {  	_ =	shalt  }
0x7e: {  	_ =	shalt  }
0x7f: {  	_ =	shalt  }
0x80: {  	_ =	shalt  }
0x81: {  	_ =	shalt  }
0x82: {  	_ =	shalt  }
0x83: {  	_ =	shalt  }
0x84: {  	_ =	shalt  }
0x85: {  	_ =	shalt  }
0x86: {  	_ =	shalt  }
0x87: {  	_ =	shalt  }
.Lfunc_end0:
.L_simem_size_0:
called_computation_lowered:
.L_overlay_start_0:
0x88: {  	s2 =	sld [smem:$0x3FD9]  }
0x89: {  	s3 =	sld [smem:$0x3FFE];
	_ =	sdelay $0x1  }
0x8a: {  	s1 =	srdreg.scid  }
0x8b: {  	s0 =	sand.u32 $0x1, s1  }
0x8c: {  	s17 =	sshll.u32 s0, $0xA;
	s2 =	sadd.s32 s3, s2  }
0x8d: {  	s2 =	sadd.s32 s2, s17  }
0x8e: {  	[smem:$0x3FC5] =	sst s2  }
0x8f: {  	_ = 	snop  }
0x90: {  	s2 =	sld [smem:$0x3FC9]  }
0x91: {  	s18 =	sld [smem:$0x3FC8]  }
0x92: {  	s4 =	sld [smem:$0x3FD0];
	(tm) =	ssettm $0x1  }
0x93: {  	s5 =	sld [smem:$0x3FFB];
	_ =	sdelay $0x3  }
0x94: {  	_ =	strace s5  }
0x95: {  	s5 =	sld [smem:$0x3FFC];
	_ =	sdelay $0x3  }
0x96: {  	_ =	strace s5  }
0x97: {  	s5 =	sld [smem:$0x3FFD];
	_ =	sdelay $0x3  }
0x98: {  	_ =	strace s5  }
0x99: {  	_ =	strace $0x8FFFFFFF  }
0x9a: {  	s19 =	sld [smem:$0x3FDB];
	_ =	sdelay $0x1  }
0x9b: {  	s6 =	simm.s32 $_scs_section_size  }
0x9c: {  	s7 =	simm.s32 $_size__tile_overlayer_lowered;
	s8 =	simm.s32 $_tile_overlayer_lowered  }
0x9d: {  	s22 =	simm.s32 $0x1BFF;
	s21 =	sshll.u32 s8, $0x1;
	s5 =	sadd.s32 s6, s19  }
0x9e: {  	s9 =	simm.s32 $0x0;
	s20 =	sshll.u32 s7, $0x1;
	s7 =	sadd.s32 s21, s5  }
0x9f: {  	[timem:s9], [sflag:s22] =	dma.local [hbm:s7], s20  }
0xa0: {  	_ =	swait.ge [sflag:s22], s20  }
0xa1: {  	s6 =	ssub.s32 $0x0, s20;
	[sflag:s22] =	ssyncset.done $0x0  }
0xa2: {  	[sflag:s22] =	ssyncadd.s32 s6;
	_ =	sdelay $0x1  }
0xa3: {  	s23 =	simm.s32 $0x1B8B  }
0xa4: {  	_ =	swait.ge [sflag:s23], $0x1  }
0xa5: {  	[sflag:s23] =	ssyncset.done $0x0  }
0xa6: {  	s25 =	simm.s32 $0x1B8E;
	s24 =	sld [smem:$0x3FFE];
	[sflag:s23] =	ssyncadd.s32 $0xFFFFFFFF  }
0xa7: {  	s26 =	simm.s32 $execute0_lowered;
	[smem:$0x3FD2] =	sst s25  }
0xa8: {  	s7 =	sshll.u32 s26, $0x1;
	_ =	strace $0x80000046;
	[dreg:$0x1] =	wrdreg $0xFFFFFFFF  }
0xa9: {  	s28 =	simm.s32 $_size_execute0_lowered;
	s5 =	sadd.s32 s5, s7;
	[dreg:$0x0] =	wrdreg $0x0  }
0xaa: {  	s7 =	sshll.u32 s28, $0x1;
	[dreg:$0x2] =	wrdreg s5  }
0xab: {  	[dreg:$0x3] =	wrdreg s7  }
0xac: {  	[dreg:$0x4] =	wrdreg $0xC0  }
0xad: {  	_ =	task [dreg:s9], $0x5FFFF  }
0xae: {  	[dreg:$0x1] =	wrdreg $0xFFFFFFFF  }
0xaf: {  	[dreg:$0x0] =	wrdreg $0x60  }
0xb0: {  	[dreg:$0x2] =	wrdreg s2  }
0xb1: {  	[dreg:$0x3] =	wrdreg s18  }
0xb2: {  	[dreg:$0x4] =	wrdreg s24  }
0xb3: {  	[dreg:$0x5] =	wrdreg s4  }
0xb4: {  	[dreg:$0x6] =	wrdreg $0x9  }
0xb5: {  	_ =	task.clear_ibuf [dreg:s9], $0x7FFFF;
	_ =	strace $0x90000046  }
0xb6: {  	s29 =	simm.s32 $0x9;
	_ =	strace $0x80000048  }
0xb7: {  	_ =	swait.ge [sflag:s29], $0x1  }
0xb8: {  	[sflag:s29] =	ssyncadd.s32 $0xFFFFFFFF  }
0xb9: {  	_ =	strace $0x90000048  }
0xba: {  	_ =	sfence  }
0xbb: {  	s30 =	sld [smem:$0x0];
	_ =	sdelay $0x2  }
0xbc: {  	s31 =	sshll.u32 s1, $0xD;
	s1 =	sshrl.u32 s1, $0x2  }
0xbd: {  	s3 =	sand.u32 $0x4000, s31;
	s1 =	sadd.s32 s1, s30  }
0xbe: {  	s0 =	sor.u32 s3, s0;
	s1 =	sshll.u32 s1, $0x11  }
0xbf: {  	s0 =	sor.u32 s1, s0  }
0xc0: {  	s0 =	sadd.s32 $0x8F2B, s0  }
0xc1: {  	[sflag:s0] =	ssyncadd.remote.s32 $0x1  }
0xc2: {  	_ =	sfence.sel $0xFFFF  }
0xc3: {  	[dreg:$0x0] =	wrdreg $0xFFFFFFFF;
	(pc) =	sbr.abs _section_cstart, $3  }
0xc4: {  	[dreg:$0x1] =	wrdreg $0xFFFFFFFF  }
0xc5: {  	_ =	task.clear_ibuf [dreg:s9], $0x2FFFF;
	_ =	strace $0x9FFFFFFF  }
0xc6: {  	(tm) =	ssettm $0x7FFFFFFF  }
0xc7: {  	_ =	shalt  }
tec
execute0_lowered:
.L_overlay_start_1:
0x0: {  	(tag) =	ssettag $0x1  }
0x1: {  	s4 =	rddreg [dreg:$0x0]  }
0x2: {  	s5 =	rddreg [dreg:$0x1]  }
0x3: {  	s3 =	rddreg [dreg:$0x2]  }
0x4: {  	s1 =	srdreg.scid;
	s0 =	stileid.u32  }
0x5: {  	s6 =	rddreg [dreg:$0x3];
	s2 =	simm.s32 $0x0;
	s10 =	simm.s32 $0x4E20  }
0x6: {  	s11 =	simm.s32 $0x7530;
	s12 =	simm.s32 $0x1;
	s13 =	simm.s32 $0x9C40  }
0x7: {  	s14 =	simm.s32 $0x0;
	s7 =	sand.u32 $0x1, s1;
	s8 =	sshll.u32 s0, $0x1  }
0x8: {  	s1 =	rddreg [dreg:$0x4];
	s8 =	sor.u32 s7, s8;
	s7 =	ssub.s32 $0x2, s7  }
0x9: {  	[smem:$0x7FF] =	sst s2;
	s8 =	smul.u32 $0x4E2, s8;
	s9 =	sshrl.u32 s7, $0x1  }
0xa: {  	s3 =	sadd.s32 $0x400, s3;
	_ =	strace $0x80000047;
	s7 =	ssub.s32 s7, s9  }
0xb: {  	s9 =	simm.s32 $0x2710;
	s4 =	sadd.s32 s4, s8;
	s5 =	sadd.s32 s5, s8  }
0xc: {  	s6 =	sadd.s32 s6, s8;
	s7 =	smax.u32 s7, $0x1;
	s8 =	simm.s32 $0x2  }
.LBB2_1:
0xd: {  	[tilespmem:s2], [sflag:$0x2] =	stream.linear.gather [hbm4b:s4+s2], $0x2710, $0x38;
	[tilespmem:$0xC350] =	vst v63  }
0xe: {  	_ =	swait.ge [sflag:s8], $0x2710  }
0xf: {  	[sflag:s8] =	ssyncset.done $0x0  }
0x10: {  	[sflag:s8] =	ssyncadd.s32 $0xFFFFD8F0  }
0x11: {  	[tilespmem:s9], [sflag:$0x2] =	stream.linear.gather [hbm4b:s5+s2], $0x2710, $0x38;
	[tilespmem:$0xC350] =	vst v63  }
0x12: {  	_ =	swait.ge [sflag:s8], $0x2710  }
0x13: {  	[sflag:s8] =	ssyncset.done $0x0  }
0x14: {  	s15 =	simm.s32 $0x0;
	[sflag:s8] =	ssyncadd.s32 $0xFFFFD8F0  }
0x15: {  	v0 =	vld [tilespmem:s15+$0x0]  }
0x16: {  	v2 =	vld [tilespmem:s15+$0x2710];
	_ =	sdelay $0x4  }
0x17: {  	v1 =	vshrl.u32 v2, $0x7;
	v3 =	vshll.u32 v0, $0x7  }
0x18: {  	s16 =	simm.s32 $0x10;
	vm0 =	vgt.s32 v0, $0x13FF;
	v0 =	vmul.u32 $0xA0000, v1;
	v1 =	vadd.s32 $0xFFF60000, v3  }
0x19: {  	v3 =	vsel vm0, v1, v3;
	v1 =	vld [tilespmem:s16+$0x0]  }
0x1a: {  	v3 =	vadd.s32 v3, v0;
	v0 =	vld [tilespmem:s16+$0x2710];
	_ =	sdelay $0x1  }
0x1b: {  	v2 =	vand.u32 $0x7F, v2  }
0x1c: {  	s17 =	simm.s32 $0x80;
	v2 =	vor.u32 v2, v3  }
.LBB2_2:
0x1d: {  	[tilespmem:s15+$0x4E20] =	vst v2;
	v2 =	vmov v1;
	s15 =	smov.u32 s16;
	s16 =	sshra.s32 s17, $0x2;
	p0 =	sne.s32 s17, $0x9C00  }
.Ltmp0:
0x1e: {  	s17 =	sadd.s32 $0x40, s17;
	v1 =	vld [tilespmem:s16+$0x0];
	v3 =	vshrl.u32 v0, $0x7;
	v4 =	vshll.u32 v2, $0x7;
	v5 =	vmov v0;
	(pc) =	sbr.rel @p0 .LBB2_2-.Ltmp0, $4  }
0x1f: {  	vm0 =	vgt.s32 v2, $0x13FF;
	v0 =	vld [tilespmem:s16+$0x2710];
	v2 =	vmul.u32 $0xA0000, v3;
	v3 =	vadd.s32 $0xFFF60000, v4  }
0x20: {  	v3 =	vsel vm0, v3, v4  }
0x21: {  	v2 =	vadd.s32 v3, v2;
	v3 =	vand.u32 $0x7F, v5  }
0x22: {  	v2 =	vor.u32 v3, v2  }
0x23: {  	_ = 	snop  }
0x24: {  	v4 =	vshll.u32 v1, $0x7;
	v3 =	vshrl.u32 v0, $0x7  }
0x25: {  	vm0 =	vgt.s32 v1, $0x13FF;
	v1 =	vmul.u32 $0xA0000, v3;
	v3 =	vadd.s32 $0xFFF60000, v4  }
0x26: {  	v3 =	vsel vm0, v3, v4  }
0x27: {  	v0 =	vand.u32 $0x7F, v0;
	v1 =	vadd.s32 v3, v1  }
0x28: {  	[tilespmem:s15+$0x4E20] =	vst v2;
	v0 =	vor.u32 v0, v1  }
0x29: {  	[tilespmem:s16+$0x4E20] =	vst v0  }
0x2a: {  	[tilespmem:s11], [sflag:$0x1] =	stream.indirect.gather [hbm4b:s3+s9], $0x1, s10, s9, $0xb8;
	[tilespmem:$0xC350] =	vst v63  }
0x2b: {  	_ =	swait.ge [sflag:s12], $0x2710  }
0x2c: {  	[sflag:s12] =	ssyncset.done $0x0  }
0x2d: {  	s15 =	simm.s32 $0x0;
	[sflag:s12] =	ssyncadd.s32 $0xFFFFD8F0  }
0x2e: {  	v0 =	vld [tilespmem:s15+$0x7530]  }
0x2f: {  	s16 =	simm.s32 $0x40;
	v1 =	vld [tilespmem:s15+$0x0]  }
.LBB2_4:
0x30: {  	_ = 	snop  }
0x31: {  	p0 =	sne.s32 s16, $0x9C00  }
.Ltmp1:
0x32: {  	_ = 	snop;
	(pc) =	sbr.rel @p0 .LBB2_4-.Ltmp1, $4  }
0x33: {  	_ = 	snop  }
0x34: {  	s17 =	sshra.s32 s16, $0x2;
	v2 =	vunpack.i.u.bf16.f32 v0;
	v3 =	vunpack.i.l.bf16.f32 v0;
	vm0 =	vlt.s32 v1, $0x1400  }
0x35: {  	v0 =	vld [tilespmem:s17+$0x7530];
	v2 =	vsel vm0, v3, v2  }
0x36: {  	s16 =	sadd.s32 $0x40, s16;
	v1 =	vld [tilespmem:s17+$0x0];
	[tilespmem:s15+$0x9C40] =	vst v2;
	s15 =	smov.u32 s17  }
0x37: {  	_ =	sdelay $0x3  }
0x38: {  	s14 =	sadd.s32 $0x1, s14;
	v2 =	vunpack.i.u.bf16.f32 v0;
	v63 =	vunpack.i.l.bf16.f32 v0;
	vm0 =	vlt.s32 v1, $0x1400  }
0x39: {  	p0 =	sne.s32 s14, s7;
	v0 =	vsel vm0, v63, v2  }
.Ltmp2:
0x3a: {  	[tilespmem:s15+$0x9C40] =	vst v0;
	(pc) =	sbr.rel @p0 .LBB2_1-.Ltmp2, $4  }
0x3b: {  	[hbm4b:s6+s2] =	stream.linear.scatter [tilespmem:s13], [sflag:$0x2], $0x2710, $0x38;
	[tilespmem:$0xC350] =	vst v63  }
0x3c: {  	_ =	swait.ge [sflag:s8], $0x2710  }
0x3d: {  	[sflag:s8] =	ssyncset.done $0x0  }
0x3e: {  	[sflag:s8] =	ssyncadd.s32 $0xFFFFD8F0  }
0x3f: {  	_ =	sfence.sel $0x180000  }
0x40: {  	[bflag:$0x0] =	sbarrier.arrive $0xFFFF  }
0x41: {  	p0 =	sne.s32 s0, $0x0;
	_ =	strace $0x90000047  }
0x42: {  	s0 =	sadd.s32 @!p0 $0x100000, s1;
	[bflag:$0x2] =	sbarrier.arrive $0xFFFF  }
0x43: {  	[sflag:s0] =	ssyncadd.tile.s32 @!p0 $0x1;
	_ =	shalt  }
.Lfunc_end2:
_tile_overlayer_lowered:
.L_overlay_start_2:
0x44: {  	(tag) =	ssettag $0x2  }
0x45: {  	s0 =	rddreg [dreg:$0x0];
	s2 =	stileid.u32  }
0x46: {  	s1 =	rddreg [dreg:$0x1];
	p0 =	sne.s32 s2, $0x0  }
0x47: {  	s3 =	rddreg [dreg:$0x2];
	[bflag:$0x3] =	sbarrier.arrive $0xFFFF;
	s2 =	simm.s32 @!p0 $0x1C02  }
0x48: {  	[timem:s3], [sflag:s2] =	dma.local @!p0 [hbm:s0], s1  }
0x49: {  	s0 =	simm.s32 @!p0 $0x2  }
0x4a: {  	_ =	swait.ge @!p0 [sflag:s0], s1  }
0x4b: {  	s1 =	ssub.s32 @!p0 $0x0, s1;
	[sflag:s0] =	ssyncset.done @!p0 $0x0  }
0x4c: {  	[sflag:s0] =	ssyncadd.s32 @!p0 s1  }
0x4d: {  	[bflag:$0x3] =	sbarrier.arrive $0xFFFF  }
0x4e: {  	_ =	shalt  }

</sc_bundles>
